<compile_context>
chip_gen: v7x
topology: tpu7x:2x2x1
jax: 0.10.2.dev20260603
libtpu: 0.0.44.dev20260713+nightly
codegen_flags: <defaults>
</compile_context>

<pallas_src>
import functools

import jax
import jax.numpy as jnp
from jax import lax
from jax.experimental import pallas as pl
from jax.experimental.pallas import tpu as pltpu
from jax.experimental.pallas import tpu_sc as plsc

BB = 8


def _sc_gather_body(table_hbm, idx_hbm, out_hbm, idx_v, rows_v, sem):
    info = plsc.get_sparse_core_info()
    wid = lax.axis_index("s") * info.num_cores + lax.axis_index("c")
    bpw = idx_v.shape[0]
    base = wid * bpw
    pltpu.sync_copy(idx_hbm.at[pl.ds(base, bpw)], idx_v)
    pltpu.async_copy(table_hbm.at[idx_v], rows_v, sem).wait()
    pltpu.sync_copy(rows_v, out_hbm.at[pl.ds(base, bpw)])


def _sc_time_emb(table, idx, n_rows, dim):
    info = plsc.get_sparse_core_info()
    nw = info.num_cores * info.num_subcores
    bpw = n_rows // nw
    mesh = plsc.VectorSubcoreMesh(core_axis_name="c", subcore_axis_name="s")
    k = functools.partial(
        pl.kernel,
        mesh=mesh,
        out_type=jax.ShapeDtypeStruct((n_rows, dim), jnp.float32),
        scratch_types=[
            pltpu.VMEM((bpw,), jnp.int32),
            pltpu.VMEM((bpw, dim), jnp.float32),
            pltpu.SemaphoreType.DMA,
        ],
    )(_sc_gather_body)
    return k(table, idx)


def _tc_add_body(rows_ref, x_ref, o_ref):
    n_rows = rows_ref.shape[1]
    dim_per = 32
    embs = []
    for i in range(BB):
        a = rows_ref[i]
        parts = [a[r:r + 1, :dim_per] for r in range(n_rows)]
        embs.append(jnp.concatenate(parts, axis=1)[None])
    emb = jnp.concatenate(embs, axis=0)
    o_ref[...] = x_ref[...] + emb


def kernel(x, hour, day, hour_table, day_table):
    B, N, T, D = x.shape
    TD = T * D
    dim_per = hour_table.shape[1]

    table = jnp.concatenate([hour_table, day_table], axis=0)
    table = jnp.pad(table, ((0, 0), (0, 128 - dim_per)))
    idx = jnp.stack(
        [hour.astype(jnp.int32),
         day.astype(jnp.int32) + hour_table.shape[0]],
        axis=-1,
    ).reshape(-1)

    rows = _sc_time_emb(table, idx, 2 * B * T, 128)
    rows3 = rows.reshape(B, 2 * T, 128)

    x3 = x.reshape(B, N, TD)
    out = pl.pallas_call(
        _tc_add_body,
        grid=(B // BB,),
        in_specs=[
            pl.BlockSpec((BB, 2 * T, 128), lambda b: (b, 0, 0)),
            pl.BlockSpec((BB, N, TD), lambda b: (b, 0, 0)),
        ],
        out_specs=pl.BlockSpec((BB, N, TD), lambda b: (b, 0, 0)),
        out_shape=jax.ShapeDtypeStruct((B, N, TD), x.dtype),
    )(rows3, x3)
    return out.reshape(B, N, T, D)

# --- scband reference (transcript-rebuilt; emitter-appended) ---
"""Pipeline reference for scband-time-index-embedding-46961172415191 (READ-ONLY COPY).

The authoritative reference and input builder live on the scoring server;
editing this copy changes nothing except your own understanding.
"""

import jax, jax.numpy as jnp
import numpy as np

B, N, T, D = 64, 325, 12, 64
DIM_PER = D // 2  # num_active = 2 (hour, day); 2*32 == 64 so projection is Identity

def setup_inputs(seed: int = 0) -> dict:
    key = jax.random.key(seed)
    k1, k2, k3, k4, k5 = jax.random.split(key, 5)
    x = jax.random.normal(k1, (B, N, T, D), dtype=jnp.float32)
    hour = jax.random.randint(k2, (B, T), 0, 24)
    day = jax.random.randint(k3, (B, T), 0, 7)
    hour_table = jax.random.normal(k4, (24, DIM_PER), dtype=jnp.float32) * 0.02
    day_table = jax.random.normal(k5, (7, DIM_PER), dtype=jnp.float32) * 0.02
    return {"x": x, "hour": hour, "day": day, "hour_table": hour_table, "day_table": day_table}

def reference(x, hour, day, hour_table, day_table):
    # nn.Embedding lookup -> jnp.take over axis 0
    hour_emb = jnp.take(hour_table, hour, axis=0)  # (B, T, DIM_PER)
    day_emb = jnp.take(day_table, day, axis=0)     # (B, T, DIM_PER)
    time_emb = jnp.concatenate([hour_emb, day_emb], axis=-1)  # (B, T, D); projection = Identity
    # unsqueeze(1).expand(-1, N, -1, -1)
    time_emb = jnp.broadcast_to(time_emb[:, None, :, :], (x.shape[0], x.shape[1], x.shape[2], x.shape[3]))
    return x + time_emb

if __name__ == "__main__":
    import jax
    _d = setup_inputs()
    print(jax.jit(kernel)(*tuple(_d.values())))

</pallas_src>

<mosaic_0001>
#map = affine_map<(d0, d1) -> (0, 0)>
#map1 = affine_map<(d0, d1) -> (0)>
module attributes {stable_mosaic.version = 14 : i64} {
  func.func @_sc_gather_body(%arg0: i32, %arg1: i32, %arg2: memref<31x128xf32, #tpu.memory_space<hbm>>, %arg3: memref<1536xi32, #tpu.memory_space<hbm>>, %arg4: memref<1536x128xf32, #tpu.memory_space<hbm>>, %arg5: memref<48xi32, #tpu.memory_space<vmem>>, %arg6: memref<48x128xf32, #tpu.memory_space<vmem>>, %arg7: memref<!tpu.dma_semaphore, #tpu.memory_space<semaphore_mem>>) attributes {dimension_semantics = [#tpu.dimension_semantics<core_parallel>, #tpu.dimension_semantics<subcore_parallel>], iteration_bounds = array<i64: 2, 16>, scalar_prefetch = 0 : i64, scratch_operands = 3 : i64, tpu.core_type = #tpu.core_type<sc_vector_subcore>, window_params = [{transform_indices = #map}, {transform_indices = #map1}, {transform_indices = #map}]} {
    %mul3A = arith.constant 2 : i32
    %mul3A_0 = arith.muli %arg1, %mul3A : i32
    %add3A = arith.addi %mul3A_0, %arg0 : i32
    %mul3A_1 = arith.constant 48 : i32
    %mul3A_2 = arith.muli %add3A, %mul3A_1 : i32
    "tpu.region"() ({
      %run_scoped3A = tpu.sem_alloc : memref<!tpu.dma_semaphore, #tpu.memory_space<semaphore_mem>>
      %dma_start3A_7 = tpu.memref_slice %arg3[%mul3A_2] : memref<1536xi32, #tpu.memory_space<hbm>> -> memref<48xi32, #tpu.memory_space<hbm>>
      %dma_start3A_8 = tpu.memref_slice %arg3[%mul3A_2] : memref<1536xi32, #tpu.memory_space<hbm>> -> memref<48xi32, #tpu.memory_space<hbm>>
      tpu.enqueue_dma source(%dma_start3A_8 : memref<48xi32, #tpu.memory_space<hbm>>) target(%arg5 : memref<48xi32, #tpu.memory_space<vmem>>) target_semaphore(%run_scoped3A : memref<!tpu.dma_semaphore, #tpu.memory_space<semaphore_mem>>)
      %dma_wait3A_9 = tpu.memref_slice %arg3[%mul3A_2] : memref<1536xi32, #tpu.memory_space<hbm>> -> memref<48xi32, #tpu.memory_space<hbm>>
      %dma_wait3A_10 = tpu.memref_slice %arg3[%mul3A_2] : memref<1536xi32, #tpu.memory_space<hbm>> -> memref<48xi32, #tpu.memory_space<hbm>>
      tpu.wait_dma2 semaphore(%run_scoped3A : memref<!tpu.dma_semaphore, #tpu.memory_space<semaphore_mem>>) src(%dma_wait3A_10 : memref<48xi32, #tpu.memory_space<hbm>>) dst(%arg5 : memref<48xi32, #tpu.memory_space<vmem>>)
      tpu.yield
    }) : () -> ()
    %dma_start3A = arith.constant 0 : i32
    %dma_start3A_3 = arith.constant 0 : i32
    %dma_start3A_4 = tpu.memref_slice %arg2[%dma_start3A, %dma_start3A_3] : memref<31x128xf32, #tpu.memory_space<hbm>> -> memref<31x128xf32, #tpu.memory_space<hbm>>
    tpu.enqueue_indirect_dma source(%dma_start3A_4 : memref<31x128xf32, #tpu.memory_space<hbm>>) target(%arg6 : memref<48x128xf32, #tpu.memory_space<vmem>>) offsets(%arg5 : memref<48xi32, #tpu.memory_space<vmem>>) semaphore(%arg7 : memref<!tpu.dma_semaphore, #tpu.memory_space<semaphore_mem>>)
    %dma_wait3A = arith.constant 0 : i32
    %dma_wait3A_5 = arith.constant 0 : i32
    %dma_wait3A_6 = tpu.memref_slice %arg2[%dma_wait3A, %dma_wait3A_5] : memref<31x128xf32, #tpu.memory_space<hbm>> -> memref<31x128xf32, #tpu.memory_space<hbm>>
    tpu.wait_indirect_dma semaphore(%arg7 : memref<!tpu.dma_semaphore, #tpu.memory_space<semaphore_mem>>) src(%dma_wait3A_6 : memref<31x128xf32, #tpu.memory_space<hbm>>) dst(%arg6 : memref<48x128xf32, #tpu.memory_space<vmem>>)
    "tpu.region"() ({
      %run_scoped3A = tpu.sem_alloc : memref<!tpu.dma_semaphore, #tpu.memory_space<semaphore_mem>>
      %dma_start3A_7 = arith.constant 0 : i32
      %dma_start3A_8 = tpu.memref_slice %arg4[%mul3A_2, %dma_start3A_7] : memref<1536x128xf32, #tpu.memory_space<hbm>> -> memref<48x128xf32, #tpu.memory_space<hbm>>
      %dma_start3A_9 = arith.constant 0 : i32
      %dma_start3A_10 = tpu.memref_slice %arg4[%mul3A_2, %dma_start3A_9] : memref<1536x128xf32, #tpu.memory_space<hbm>> -> memref<48x128xf32, #tpu.memory_space<hbm>>
      tpu.enqueue_dma source(%arg6 : memref<48x128xf32, #tpu.memory_space<vmem>>) target(%dma_start3A_10 : memref<48x128xf32, #tpu.memory_space<hbm>>) target_semaphore(%run_scoped3A : memref<!tpu.dma_semaphore, #tpu.memory_space<semaphore_mem>>)
      %dma_wait3A_11 = arith.constant 0 : i32
      %dma_wait3A_12 = tpu.memref_slice %arg4[%mul3A_2, %dma_wait3A_11] : memref<1536x128xf32, #tpu.memory_space<hbm>> -> memref<48x128xf32, #tpu.memory_space<hbm>>
      %dma_wait3A_13 = arith.constant 0 : i32
      %dma_wait3A_14 = tpu.memref_slice %arg4[%mul3A_2, %dma_wait3A_13] : memref<1536x128xf32, #tpu.memory_space<hbm>> -> memref<48x128xf32, #tpu.memory_space<hbm>>
      tpu.wait_dma2 semaphore(%run_scoped3A : memref<!tpu.dma_semaphore, #tpu.memory_space<semaphore_mem>>) src(%arg6 : memref<48x128xf32, #tpu.memory_space<vmem>>) dst(%dma_wait3A_14 : memref<48x128xf32, #tpu.memory_space<hbm>>)
      tpu.yield
    }) : () -> ()
    return
  }
}

module attributes {stable_mosaic.version = 14 : i64} {
  func.func @_tc_add_body(%arg0: i32, %arg1: memref<8x24x128xf32, #tpu.memory_space<vmem>>, %arg2: memref<8x325x768xf32, #tpu.memory_space<vmem>>, %arg3: memref<8x325x768xf32, #tpu.memory_space<vmem>>) attributes {dimension_semantics = [#tpu.dimension_semantics<arbitrary>], iteration_bounds = array<i64: 8>, scalar_prefetch = 0 : i64, scratch_operands = 0 : i64, tpu.core_type = #tpu.core_type<tc>, window_params = [{transform_indices = @transform_0, window_bounds = array<i64: 8, 24, 128>}, {transform_indices = @transform_1, window_bounds = array<i64: 8, 325, 768>}, {transform_indices = @transform_2, window_bounds = array<i64: 8, 325, 768>}]} {
    %get3A = arith.constant 0 : index
    %get3A_0 = arith.constant 0 : index
    %get3A_1 = arith.constant 0 : index
    %get3A_2 = vector.load %arg1[%get3A, %get3A_0, %get3A_1] : memref<8x24x128xf32, #tpu.memory_space<vmem>>, vector<1x24x128xf32>
    %get3A_3 = vector.shape_cast %get3A_2 : vector<1x24x128xf32> to vector<24x128xf32>
    %slice3A = vector.extract_strided_slice %get3A_3 {offsets = [0, 0], sizes = [1, 32], strides = [1, 1]} : vector<24x128xf32> to vector<1x32xf32>
    %slice3A_4 = vector.extract_strided_slice %get3A_3 {offsets = [1, 0], sizes = [1, 32], strides = [1, 1]} : vector<24x128xf32> to vector<1x32xf32>
    %slice3A_5 = vector.extract_strided_slice %get3A_3 {offsets = [2, 0], sizes = [1, 32], strides = [1, 1]} : vector<24x128xf32> to vector<1x32xf32>
    %slice3A_6 = vector.extract_strided_slice %get3A_3 {offsets = [3, 0], sizes = [1, 32], strides = [1, 1]} : vector<24x128xf32> to vector<1x32xf32>
    %slice3A_7 = vector.extract_strided_slice %get3A_3 {offsets = [4, 0], sizes = [1, 32], strides = [1, 1]} : vector<24x128xf32> to vector<1x32xf32>
    %slice3A_8 = vector.extract_strided_slice %get3A_3 {offsets = [5, 0], sizes = [1, 32], strides = [1, 1]} : vector<24x128xf32> to vector<1x32xf32>
    %slice3A_9 = vector.extract_strided_slice %get3A_3 {offsets = [6, 0], sizes = [1, 32], strides = [1, 1]} : vector<24x128xf32> to vector<1x32xf32>
    %slice3A_10 = vector.extract_strided_slice %get3A_3 {offsets = [7, 0], sizes = [1, 32], strides = [1, 1]} : vector<24x128xf32> to vector<1x32xf32>
    %slice3A_11 = vector.extract_strided_slice %get3A_3 {offsets = [8, 0], sizes = [1, 32], strides = [1, 1]} : vector<24x128xf32> to vector<1x32xf32>
    %slice3A_12 = vector.extract_strided_slice %get3A_3 {offsets = [9, 0], sizes = [1, 32], strides = [1, 1]} : vector<24x128xf32> to vector<1x32xf32>
    %slice3A_13 = vector.extract_strided_slice %get3A_3 {offsets = [10, 0], sizes = [1, 32], strides = [1, 1]} : vector<24x128xf32> to vector<1x32xf32>
    %slice3A_14 = vector.extract_strided_slice %get3A_3 {offsets = [11, 0], sizes = [1, 32], strides = [1, 1]} : vector<24x128xf32> to vector<1x32xf32>
    %slice3A_15 = vector.extract_strided_slice %get3A_3 {offsets = [12, 0], sizes = [1, 32], strides = [1, 1]} : vector<24x128xf32> to vector<1x32xf32>
    %slice3A_16 = vector.extract_strided_slice %get3A_3 {offsets = [13, 0], sizes = [1, 32], strides = [1, 1]} : vector<24x128xf32> to vector<1x32xf32>
    %slice3A_17 = vector.extract_strided_slice %get3A_3 {offsets = [14, 0], sizes = [1, 32], strides = [1, 1]} : vector<24x128xf32> to vector<1x32xf32>
    %slice3A_18 = vector.extract_strided_slice %get3A_3 {offsets = [15, 0], sizes = [1, 32], strides = [1, 1]} : vector<24x128xf32> to vector<1x32xf32>
    %slice3A_19 = vector.extract_strided_slice %get3A_3 {offsets = [16, 0], sizes = [1, 32], strides = [1, 1]} : vector<24x128xf32> to vector<1x32xf32>
    %slice3A_20 = vector.extract_strided_slice %get3A_3 {offsets = [17, 0], sizes = [1, 32], strides = [1, 1]} : vector<24x128xf32> to vector<1x32xf32>
    %slice3A_21 = vector.extract_strided_slice %get3A_3 {offsets = [18, 0], sizes = [1, 32], strides = [1, 1]} : vector<24x128xf32> to vector<1x32xf32>
    %slice3A_22 = vector.extract_strided_slice %get3A_3 {offsets = [19, 0], sizes = [1, 32], strides = [1, 1]} : vector<24x128xf32> to vector<1x32xf32>
    %slice3A_23 = vector.extract_strided_slice %get3A_3 {offsets = [20, 0], sizes = [1, 32], strides = [1, 1]} : vector<24x128xf32> to vector<1x32xf32>
    %slice3A_24 = vector.extract_strided_slice %get3A_3 {offsets = [21, 0], sizes = [1, 32], strides = [1, 1]} : vector<24x128xf32> to vector<1x32xf32>
    %slice3A_25 = vector.extract_strided_slice %get3A_3 {offsets = [22, 0], sizes = [1, 32], strides = [1, 1]} : vector<24x128xf32> to vector<1x32xf32>
    %slice3A_26 = vector.extract_strided_slice %get3A_3 {offsets = [23, 0], sizes = [1, 32], strides = [1, 1]} : vector<24x128xf32> to vector<1x32xf32>
    %concatenate3A = tpu.concatenate %slice3A, %slice3A_4, %slice3A_5, %slice3A_6, %slice3A_7, %slice3A_8, %slice3A_9, %slice3A_10, %slice3A_11, %slice3A_12, %slice3A_13, %slice3A_14, %slice3A_15, %slice3A_16, %slice3A_17, %slice3A_18, %slice3A_19, %slice3A_20, %slice3A_21, %slice3A_22, %slice3A_23, %slice3A_24, %slice3A_25, %slice3A_26 in 1 : vector<1x32xf32>, vector<1x32xf32>, vector<1x32xf32>, vector<1x32xf32>, vector<1x32xf32>, vector<1x32xf32>, vector<1x32xf32>, vector<1x32xf32>, vector<1x32xf32>, vector<1x32xf32>, vector<1x32xf32>, vector<1x32xf32>, vector<1x32xf32>, vector<1x32xf32>, vector<1x32xf32>, vector<1x32xf32>, vector<1x32xf32>, vector<1x32xf32>, vector<1x32xf32>, vector<1x32xf32>, vector<1x32xf32>, vector<1x32xf32>, vector<1x32xf32>, vector<1x32xf32> -> vector<1x768xf32>
    %broadcast_in_dim3A = vector.shape_cast %concatenate3A : vector<1x768xf32> to vector<1x1x768xf32>
    %get3A_27 = arith.constant 1 : index
    %get3A_28 = arith.constant 0 : index
    %get3A_29 = arith.constant 0 : index
    %get3A_30 = vector.load %arg1[%get3A_27, %get3A_28, %get3A_29] : memref<8x24x128xf32, #tpu.memory_space<vmem>>, vector<1x24x128xf32>
    %get3A_31 = vector.shape_cast %get3A_30 : vector<1x24x128xf32> to vector<24x128xf32>
    %slice3A_32 = vector.extract_strided_slice %get3A_31 {offsets = [0, 0], sizes = [1, 32], strides = [1, 1]} : vector<24x128xf32> to vector<1x32xf32>
    %slice3A_33 = vector.extract_strided_slice %get3A_31 {offsets = [1, 0], sizes = [1, 32], strides = [1, 1]} : vector<24x128xf32> to vector<1x32xf32>
    %slice3A_34 = vector.extract_strided_slice %get3A_31 {offsets = [2, 0], sizes = [1, 32], strides = [1, 1]} : vector<24x128xf32> to vector<1x32xf32>
    %slice3A_35 = vector.extract_strided_slice %get3A_31 {offsets = [3, 0], sizes = [1, 32], strides = [1, 1]} : vector<24x128xf32> to vector<1x32xf32>
    %slice3A_36 = vector.extract_strided_slice %get3A_31 {offsets = [4, 0], sizes = [1, 32], strides = [1, 1]} : vector<24x128xf32> to vector<1x32xf32>
    %slice3A_37 = vector.extract_strided_slice %get3A_31 {offsets = [5, 0], sizes = [1, 32], strides = [1, 1]} : vector<24x128xf32> to vector<1x32xf32>
    %slice3A_38 = vector.extract_strided_slice %get3A_31 {offsets = [6, 0], sizes = [1, 32], strides = [1, 1]} : vector<24x128xf32> to vector<1x32xf32>
    %slice3A_39 = vector.extract_strided_slice %get3A_31 {offsets = [7, 0], sizes = [1, 32], strides = [1, 1]} : vector<24x128xf32> to vector<1x32xf32>
    %slice3A_40 = vector.extract_strided_slice %get3A_31 {offsets = [8, 0], sizes = [1, 32], strides = [1, 1]} : vector<24x128xf32> to vector<1x32xf32>
    %slice3A_41 = vector.extract_strided_slice %get3A_31 {offsets = [9, 0], sizes = [1, 32], strides = [1, 1]} : vector<24x128xf32> to vector<1x32xf32>
    %slice3A_42 = vector.extract_strided_slice %get3A_31 {offsets = [10, 0], sizes = [1, 32], strides = [1, 1]} : vector<24x128xf32> to vector<1x32xf32>
    %slice3A_43 = vector.extract_strided_slice %get3A_31 {offsets = [11, 0], sizes = [1, 32], strides = [1, 1]} : vector<24x128xf32> to vector<1x32xf32>
    %slice3A_44 = vector.extract_strided_slice %get3A_31 {offsets = [12, 0], sizes = [1, 32], strides = [1, 1]} : vector<24x128xf32> to vector<1x32xf32>
    %slice3A_45 = vector.extract_strided_slice %get3A_31 {offsets = [13, 0], sizes = [1, 32], strides = [1, 1]} : vector<24x128xf32> to vector<1x32xf32>
    %slice3A_46 = vector.extract_strided_slice %get3A_31 {offsets = [14, 0], sizes = [1, 32], strides = [1, 1]} : vector<24x128xf32> to vector<1x32xf32>
    %slice3A_47 = vector.extract_strided_slice %get3A_31 {offsets = [15, 0], sizes = [1, 32], strides = [1, 1]} : vector<24x128xf32> to vector<1x32xf32>
    %slice3A_48 = vector.extract_strided_slice %get3A_31 {offsets = [16, 0], sizes = [1, 32], strides = [1, 1]} : vector<24x128xf32> to vector<1x32xf32>
    %slice3A_49 = vector.extract_strided_slice %get3A_31 {offsets = [17, 0], sizes = [1, 32], strides = [1, 1]} : vector<24x128xf32> to vector<1x32xf32>
    %slice3A_50 = vector.extract_strided_slice %get3A_31 {offsets = [18, 0], sizes = [1, 32], strides = [1, 1]} : vector<24x128xf32> to vector<1x32xf32>
    %slice3A_51 = vector.extract_strided_slice %get3A_31 {offsets = [19, 0], sizes = [1, 32], strides = [1, 1]} : vector<24x128xf32> to vector<1x32xf32>
    %slice3A_52 = vector.extract_strided_slice %get3A_31 {offsets = [20, 0], sizes = [1, 32], strides = [1, 1]} : vector<24x128xf32> to vector<1x32xf32>
    %slice3A_53 = vector.extract_strided_slice %get3A_31 {offsets = [21, 0], sizes = [1, 32], strides = [1, 1]} : vector<24x128xf32> to vector<1x32xf32>
    %slice3A_54 = vector.extract_strided_slice %get3A_31 {offsets = [22, 0], sizes = [1, 32], strides = [1, 1]} : vector<24x128xf32> to vector<1x32xf32>
    %slice3A_55 = vector.extract_strided_slice %get3A_31 {offsets = [23, 0], sizes = [1, 32], strides = [1, 1]} : vector<24x128xf32> to vector<1x32xf32>
    %concatenate3A_56 = tpu.concatenate %slice3A_32, %slice3A_33, %slice3A_34, %slice3A_35, %slice3A_36, %slice3A_37, %slice3A_38, %slice3A_39, %slice3A_40, %slice3A_41, %slice3A_42, %slice3A_43, %slice3A_44, %slice3A_45, %slice3A_46, %slice3A_47, %slice3A_48, %slice3A_49, %slice3A_50, %slice3A_51, %slice3A_52, %slice3A_53, %slice3A_54, %slice3A_55 in 1 : vector<1x32xf32>, vector<1x32xf32>, vector<1x32xf32>, vector<1x32xf32>, vector<1x32xf32>, vector<1x32xf32>, vector<1x32xf32>, vector<1x32xf32>, vector<1x32xf32>, vector<1x32xf32>, vector<1x32xf32>, vector<1x32xf32>, vector<1x32xf32>, vector<1x32xf32>, vector<1x32xf32>, vector<1x32xf32>, vector<1x32xf32>, vector<1x32xf32>, vector<1x32xf32>, vector<1x32xf32>, vector<1x32xf32>, vector<1x32xf32>, vector<1x32xf32>, vector<1x32xf32> -> vector<1x768xf32>
    %broadcast_in_dim3A_57 = vector.shape_cast %concatenate3A_56 : vector<1x768xf32> to vector<1x1x768xf32>
    %get3A_58 = arith.constant 2 : index
    %get3A_59 = arith.constant 0 : index
    %get3A_60 = arith.constant 0 : index
    %get3A_61 = vector.load %arg1[%get3A_58, %get3A_59, %get3A_60] : memref<8x24x128xf32, #tpu.memory_space<vmem>>, vector<1x24x128xf32>
    %get3A_62 = vector.shape_cast %get3A_61 : vector<1x24x128xf32> to vector<24x128xf32>
    %slice3A_63 = vector.extract_strided_slice %get3A_62 {offsets = [0, 0], sizes = [1, 32], strides = [1, 1]} : vector<24x128xf32> to vector<1x32xf32>
    %slice3A_64 = vector.extract_strided_slice %get3A_62 {offsets = [1, 0], sizes = [1, 32], strides = [1, 1]} : vector<24x128xf32> to vector<1x32xf32>
    %slice3A_65 = vector.extract_strided_slice %get3A_62 {offsets = [2, 0], sizes = [1, 32], strides = [1, 1]} : vector<24x128xf32> to vector<1x32xf32>
    %slice3A_66 = vector.extract_strided_slice %get3A_62 {offsets = [3, 0], sizes = [1, 32], strides = [1, 1]} : vector<24x128xf32> to vector<1x32xf32>
    %slice3A_67 = vector.extract_strided_slice %get3A_62 {offsets = [4, 0], sizes = [1, 32], strides = [1, 1]} : vector<24x128xf32> to vector<1x32xf32>
    %slice3A_68 = vector.extract_strided_slice %get3A_62 {offsets = [5, 0], sizes = [1, 32], strides = [1, 1]} : vector<24x128xf32> to vector<1x32xf32>
    %slice3A_69 = vector.extract_strided_slice %get3A_62 {offsets = [6, 0], sizes = [1, 32], strides = [1, 1]} : vector<24x128xf32> to vector<1x32xf32>
    %slice3A_70 = vector.extract_strided_slice %get3A_62 {offsets = [7, 0], sizes = [1, 32], strides = [1, 1]} : vector<24x128xf32> to vector<1x32xf32>
    %slice3A_71 = vector.extract_strided_slice %get3A_62 {offsets = [8, 0], sizes = [1, 32], strides = [1, 1]} : vector<24x128xf32> to vector<1x32xf32>
    %slice3A_72 = vector.extract_strided_slice %get3A_62 {offsets = [9, 0], sizes = [1, 32], strides = [1, 1]} : vector<24x128xf32> to vector<1x32xf32>
    %slice3A_73 = vector.extract_strided_slice %get3A_62 {offsets = [10, 0], sizes = [1, 32], strides = [1, 1]} : vector<24x128xf32> to vector<1x32xf32>
    %slice3A_74 = vector.extract_strided_slice %get3A_62 {offsets = [11, 0], sizes = [1, 32], strides = [1, 1]} : vector<24x128xf32> to vector<1x32xf32>
    %slice3A_75 = vector.extract_strided_slice %get3A_62 {offsets = [12, 0], sizes = [1, 32], strides = [1, 1]} : vector<24x128xf32> to vector<1x32xf32>
    %slice3A_76 = vector.extract_strided_slice %get3A_62 {offsets = [13, 0], sizes = [1, 32], strides = [1, 1]} : vector<24x128xf32> to vector<1x32xf32>
    %slice3A_77 = vector.extract_strided_slice %get3A_62 {offsets = [14, 0], sizes = [1, 32], strides = [1, 1]} : vector<24x128xf32> to vector<1x32xf32>
    %slice3A_78 = vector.extract_strided_slice %get3A_62 {offsets = [15, 0], sizes = [1, 32], strides = [1, 1]} : vector<24x128xf32> to vector<1x32xf32>
    %slice3A_79 = vector.extract_strided_slice %get3A_62 {offsets = [16, 0], sizes = [1, 32], strides = [1, 1]} : vector<24x128xf32> to vector<1x32xf32>
    %slice3A_80 = vector.extract_strided_slice %get3A_62 {offsets = [17, 0], sizes = [1, 32], strides = [1, 1]} : vector<24x128xf32> to vector<1x32xf32>
    %slice3A_81 = vector.extract_strided_slice %get3A_62 {offsets = [18, 0], sizes = [1, 32], strides = [1, 1]} : vector<24x128xf32> to vector<1x32xf32>
    %slice3A_82 = vector.extract_strided_slice %get3A_62 {offsets = [19, 0], sizes = [1, 32], strides = [1, 1]} : vector<24x128xf32> to vector<1x32xf32>
    %slice3A_83 = vector.extract_strided_slice %get3A_62 {offsets = [20, 0], sizes = [1, 32], strides = [1, 1]} : vector<24x128xf32> to vector<1x32xf32>
    %slice3A_84 = vector.extract_strided_slice %get3A_62 {offsets = [21, 0], sizes = [1, 32], strides = [1, 1]} : vector<24x128xf32> to vector<1x32xf32>
    %slice3A_85 = vector.extract_strided_slice %get3A_62 {offsets = [22, 0], sizes = [1, 32], strides = [1, 1]} : vector<24x128xf32> to vector<1x32xf32>
    %slice3A_86 = vector.extract_strided_slice %get3A_62 {offsets = [23, 0], sizes = [1, 32], strides = [1, 1]} : vector<24x128xf32> to vector<1x32xf32>
    %concatenate3A_87 = tpu.concatenate %slice3A_63, %slice3A_64, %slice3A_65, %slice3A_66, %slice3A_67, %slice3A_68, %slice3A_69, %slice3A_70, %slice3A_71, %slice3A_72, %slice3A_73, %slice3A_74, %slice3A_75, %slice3A_76, %slice3A_77, %slice3A_78, %slice3A_79, %slice3A_80, %slice3A_81, %slice3A_82, %slice3A_83, %slice3A_84, %slice3A_85, %slice3A_86 in 1 : vector<1x32xf32>, vector<1x32xf32>, vector<1x32xf32>, vector<1x32xf32>, vector<1x32xf32>, vector<1x32xf32>, vector<1x32xf32>, vector<1x32xf32>, vector<1x32xf32>, vector<1x32xf32>, vector<1x32xf32>, vector<1x32xf32>, vector<1x32xf32>, vector<1x32xf32>, vector<1x32xf32>, vector<1x32xf32>, vector<1x32xf32>, vector<1x32xf32>, vector<1x32xf32>, vector<1x32xf32>, vector<1x32xf32>, vector<1x32xf32>, vector<1x32xf32>, vector<1x32xf32> -> vector<1x768xf32>
    %broadcast_in_dim3A_88 = vector.shape_cast %concatenate3A_87 : vector<1x768xf32> to vector<1x1x768xf32>
    %get3A_89 = arith.constant 3 : index
    %get3A_90 = arith.constant 0 : index
    %get3A_91 = arith.constant 0 : index
    %get3A_92 = vector.load %arg1[%get3A_89, %get3A_90, %get3A_91] : memref<8x24x128xf32, #tpu.memory_space<vmem>>, vector<1x24x128xf32>
    %get3A_93 = vector.shape_cast %get3A_92 : vector<1x24x128xf32> to vector<24x128xf32>
    %slice3A_94 = vector.extract_strided_slice %get3A_93 {offsets = [0, 0], sizes = [1, 32], strides = [1, 1]} : vector<24x128xf32> to vector<1x32xf32>
    %slice3A_95 = vector.extract_strided_slice %get3A_93 {offsets = [1, 0], sizes = [1, 32], strides = [1, 1]} : vector<24x128xf32> to vector<1x32xf32>
    %slice3A_96 = vector.extract_strided_slice %get3A_93 {offsets = [2, 0], sizes = [1, 32], strides = [1, 1]} : vector<24x128xf32> to vector<1x32xf32>
    %slice3A_97 = vector.extract_strided_slice %get3A_93 {offsets = [3, 0], sizes = [1, 32], strides = [1, 1]} : vector<24x128xf32> to vector<1x32xf32>
    %slice3A_98 = vector.extract_strided_slice %get3A_93 {offsets = [4, 0], sizes = [1, 32], strides = [1, 1]} : vector<24x128xf32> to vector<1x32xf32>
    %slice3A_99 = vector.extract_strided_slice %get3A_93 {offsets = [5, 0], sizes = [1, 32], strides = [1, 1]} : vector<24x128xf32> to vector<1x32xf32>
    %slice3A_100 = vector.extract_strided_slice %get3A_93 {offsets = [6, 0], sizes = [1, 32], strides = [1, 1]} : vector<24x128xf32> to vector<1x32xf32>
    %slice3A_101 = vector.extract_strided_slice %get3A_93 {offsets = [7, 0], sizes = [1, 32], strides = [1, 1]} : vector<24x128xf32> to vector<1x32xf32>
    %slice3A_102 = vector.extract_strided_slice %get3A_93 {offsets = [8, 0], sizes = [1, 32], strides = [1, 1]} : vector<24x128xf32> to vector<1x32xf32>
    %slice3A_103 = vector.extract_strided_slice %get3A_93 {offsets = [9, 0], sizes = [1, 32], strides = [1, 1]} : vector<24x128xf32> to vector<1x32xf32>
    %slice3A_104 = vector.extract_strided_slice %get3A_93 {offsets = [10, 0], sizes = [1, 32], strides = [1, 1]} : vector<24x128xf32> to vector<1x32xf32>
    %slice3A_105 = vector.extract_strided_slice %get3A_93 {offsets = [11, 0], sizes = [1, 32], strides = [1, 1]} : vector<24x128xf32> to vector<1x32xf32>
    %slice3A_106 = vector.extract_strided_slice %get3A_93 {offsets = [12, 0], sizes = [1, 32], strides = [1, 1]} : vector<24x128xf32> to vector<1x32xf32>
    %slice3A_107 = vector.extract_strided_slice %get3A_93 {offsets = [13, 0], sizes = [1, 32], strides = [1, 1]} : vector<24x128xf32> to vector<1x32xf32>
    %slice3A_108 = vector.extract_strided_slice %get3A_93 {offsets = [14, 0], sizes = [1, 32], strides = [1, 1]} : vector<24x128xf32> to vector<1x32xf32>
    %slice3A_109 = vector.extract_strided_slice %get3A_93 {offsets = [15, 0], sizes = [1, 32], strides = [1, 1]} : vector<24x128xf32> to vector<1x32xf32>
    %slice3A_110 = vector.extract_strided_slice %get3A_93 {offsets = [16, 0], sizes = [1, 32], strides = [1, 1]} : vector<24x128xf32> to vector<1x32xf32>
    %slice3A_111 = vector.extract_strided_slice %get3A_93 {offsets = [17, 0], sizes = [1, 32], strides = [1, 1]} : vector<24x128xf32> to vector<1x32xf32>
    %slice3A_112 = vector.extract_strided_slice %get3A_93 {offsets = [18, 0], sizes = [1, 32], strides = [1, 1]} : vector<24x128xf32> to vector<1x32xf32>
    %slice3A_113 = vector.extract_strided_slice %get3A_93 {offsets = [19, 0], sizes = [1, 32], strides = [1, 1]} : vector<24x128xf32> to vector<1x32xf32>
    %slice3A_114 = vector.extract_strided_slice %get3A_93 {offsets = [20, 0], sizes = [1, 32], strides = [1, 1]} : vector<24x128xf32> to vector<1x32xf32>
    %slice3A_115 = vector.extract_strided_slice %get3A_93 {offsets = [21, 0], sizes = [1, 32], strides = [1, 1]} : vector<24x128xf32> to vector<1x32xf32>
    %slice3A_116 = vector.extract_strided_slice %get3A_93 {offsets = [22, 0], sizes = [1, 32], strides = [1, 1]} : vector<24x128xf32> to vector<1x32xf32>
    %slice3A_117 = vector.extract_strided_slice %get3A_93 {offsets = [23, 0], sizes = [1, 32], strides = [1, 1]} : vector<24x128xf32> to vector<1x32xf32>
    %concatenate3A_118 = tpu.concatenate %slice3A_94, %slice3A_95, %slice3A_96, %slice3A_97, %slice3A_98, %slice3A_99, %slice3A_100, %slice3A_101, %slice3A_102, %slice3A_103, %slice3A_104, %slice3A_105, %slice3A_106, %slice3A_107, %slice3A_108, %slice3A_109, %slice3A_110, %slice3A_111, %slice3A_112, %slice3A_113, %slice3A_114, %slice3A_115, %slice3A_116, %slice3A_117 in 1 : vector<1x32xf32>, vector<1x32xf32>, vector<1x32xf32>, vector<1x32xf32>, vector<1x32xf32>, vector<1x32xf32>, vector<1x32xf32>, vector<1x32xf32>, vector<1x32xf32>, vector<1x32xf32>, vector<1x32xf32>, vector<1x32xf32>, vector<1x32xf32>, vector<1x32xf32>, vector<1x32xf32>, vector<1x32xf32>, vector<1x32xf32>, vector<1x32xf32>, vector<1x32xf32>, vector<1x32xf32>, vector<1x32xf32>, vector<1x32xf32>, vector<1x32xf32>, vector<1x32xf32> -> vector<1x768xf32>
    %broadcast_in_dim3A_119 = vector.shape_cast %concatenate3A_118 : vector<1x768xf32> to vector<1x1x768xf32>
    %get3A_120 = arith.constant 4 : index
    %get3A_121 = arith.constant 0 : index
    %get3A_122 = arith.constant 0 : index
    %get3A_123 = vector.load %arg1[%get3A_120, %get3A_121, %get3A_122] : memref<8x24x128xf32, #tpu.memory_space<vmem>>, vector<1x24x128xf32>
    %get3A_124 = vector.shape_cast %get3A_123 : vector<1x24x128xf32> to vector<24x128xf32>
    %slice3A_125 = vector.extract_strided_slice %get3A_124 {offsets = [0, 0], sizes = [1, 32], strides = [1, 1]} : vector<24x128xf32> to vector<1x32xf32>
    %slice3A_126 = vector.extract_strided_slice %get3A_124 {offsets = [1, 0], sizes = [1, 32], strides = [1, 1]} : vector<24x128xf32> to vector<1x32xf32>
    %slice3A_127 = vector.extract_strided_slice %get3A_124 {offsets = [2, 0], sizes = [1, 32], strides = [1, 1]} : vector<24x128xf32> to vector<1x32xf32>
    %slice3A_128 = vector.extract_strided_slice %get3A_124 {offsets = [3, 0], sizes = [1, 32], strides = [1, 1]} : vector<24x128xf32> to vector<1x32xf32>
    %slice3A_129 = vector.extract_strided_slice %get3A_124 {offsets = [4, 0], sizes = [1, 32], strides = [1, 1]} : vector<24x128xf32> to vector<1x32xf32>
    %slice3A_130 = vector.extract_strided_slice %get3A_124 {offsets = [5, 0], sizes = [1, 32], strides = [1, 1]} : vector<24x128xf32> to vector<1x32xf32>
    %slice3A_131 = vector.extract_strided_slice %get3A_124 {offsets = [6, 0], sizes = [1, 32], strides = [1, 1]} : vector<24x128xf32> to vector<1x32xf32>
    %slice3A_132 = vector.extract_strided_slice %get3A_124 {offsets = [7, 0], sizes = [1, 32], strides = [1, 1]} : vector<24x128xf32> to vector<1x32xf32>
    %slice3A_133 = vector.extract_strided_slice %get3A_124 {offsets = [8, 0], sizes = [1, 32], strides = [1, 1]} : vector<24x128xf32> to vector<1x32xf32>
    %slice3A_134 = vector.extract_strided_slice %get3A_124 {offsets = [9, 0], sizes = [1, 32], strides = [1, 1]} : vector<24x128xf32> to vector<1x32xf32>
    %slice3A_135 = vector.extract_strided_slice %get3A_124 {offsets = [10, 0], sizes = [1, 32], strides = [1, 1]} : vector<24x128xf32> to vector<1x32xf32>
    %slice3A_136 = vector.extract_strided_slice %get3A_124 {offsets = [11, 0], sizes = [1, 32], strides = [1, 1]} : vector<24x128xf32> to vector<1x32xf32>
    %slice3A_137 = vector.extract_strided_slice %get3A_124 {offsets = [12, 0], sizes = [1, 32], strides = [1, 1]} : vector<24x128xf32> to vector<1x32xf32>
    %slice3A_138 = vector.extract_strided_slice %get3A_124 {offsets = [13, 0], sizes = [1, 32], strides = [1, 1]} : vector<24x128xf32> to vector<1x32xf32>
    %slice3A_139 = vector.extract_strided_slice %get3A_124 {offsets = [14, 0], sizes = [1, 32], strides = [1, 1]} : vector<24x128xf32> to vector<1x32xf32>
    %slice3A_140 = vector.extract_strided_slice %get3A_124 {offsets = [15, 0], sizes = [1, 32], strides = [1, 1]} : vector<24x128xf32> to vector<1x32xf32>
    %slice3A_141 = vector.extract_strided_slice %get3A_124 {offsets = [16, 0], sizes = [1, 32], strides = [1, 1]} : vector<24x128xf32> to vector<1x32xf32>
    %slice3A_142 = vector.extract_strided_slice %get3A_124 {offsets = [17, 0], sizes = [1, 32], strides = [1, 1]} : vector<24x128xf32> to vector<1x32xf32>
    %slice3A_143 = vector.extract_strided_slice %get3A_124 {offsets = [18, 0], sizes = [1, 32], strides = [1, 1]} : vector<24x128xf32> to vector<1x32xf32>
    %slice3A_144 = vector.extract_strided_slice %get3A_124 {offsets = [19, 0], sizes = [1, 32], strides = [1, 1]} : vector<24x128xf32> to vector<1x32xf32>
    %slice3A_145 = vector.extract_strided_slice %get3A_124 {offsets = [20, 0], sizes = [1, 32], strides = [1, 1]} : vector<24x128xf32> to vector<1x32xf32>
    %slice3A_146 = vector.extract_strided_slice %get3A_124 {offsets = [21, 0], sizes = [1, 32], strides = [1, 1]} : vector<24x128xf32> to vector<1x32xf32>
    %slice3A_147 = vector.extract_strided_slice %get3A_124 {offsets = [22, 0], sizes = [1, 32], strides = [1, 1]} : vector<24x128xf32> to vector<1x32xf32>
    %slice3A_148 = vector.extract_strided_slice %get3A_124 {offsets = [23, 0], sizes = [1, 32], strides = [1, 1]} : vector<24x128xf32> to vector<1x32xf32>
    %concatenate3A_149 = tpu.concatenate %slice3A_125, %slice3A_126, %slice3A_127, %slice3A_128, %slice3A_129, %slice3A_130, %slice3A_131, %slice3A_132, %slice3A_133, %slice3A_134, %slice3A_135, %slice3A_136, %slice3A_137, %slice3A_138, %slice3A_139, %slice3A_140, %slice3A_141, %slice3A_142, %slice3A_143, %slice3A_144, %slice3A_145, %slice3A_146, %slice3A_147, %slice3A_148 in 1 : vector<1x32xf32>, vector<1x32xf32>, vector<1x32xf32>, vector<1x32xf32>, vector<1x32xf32>, vector<1x32xf32>, vector<1x32xf32>, vector<1x32xf32>, vector<1x32xf32>, vector<1x32xf32>, vector<1x32xf32>, vector<1x32xf32>, vector<1x32xf32>, vector<1x32xf32>, vector<1x32xf32>, vector<1x32xf32>, vector<1x32xf32>, vector<1x32xf32>, vector<1x32xf32>, vector<1x32xf32>, vector<1x32xf32>, vector<1x32xf32>, vector<1x32xf32>, vector<1x32xf32> -> vector<1x768xf32>
    %broadcast_in_dim3A_150 = vector.shape_cast %concatenate3A_149 : vector<1x768xf32> to vector<1x1x768xf32>
    %get3A_151 = arith.constant 5 : index
    %get3A_152 = arith.constant 0 : index
    %get3A_153 = arith.constant 0 : index
    %get3A_154 = vector.load %arg1[%get3A_151, %get3A_152, %get3A_153] : memref<8x24x128xf32, #tpu.memory_space<vmem>>, vector<1x24x128xf32>
    %get3A_155 = vector.shape_cast %get3A_154 : vector<1x24x128xf32> to vector<24x128xf32>
    %slice3A_156 = vector.extract_strided_slice %get3A_155 {offsets = [0, 0], sizes = [1, 32], strides = [1, 1]} : vector<24x128xf32> to vector<1x32xf32>
    %slice3A_157 = vector.extract_strided_slice %get3A_155 {offsets = [1, 0], sizes = [1, 32], strides = [1, 1]} : vector<24x128xf32> to vector<1x32xf32>
    %slice3A_158 = vector.extract_strided_slice %get3A_155 {offsets = [2, 0], sizes = [1, 32], strides = [1, 1]} : vector<24x128xf32> to vector<1x32xf32>
    %slice3A_159 = vector.extract_strided_slice %get3A_155 {offsets = [3, 0], sizes = [1, 32], strides = [1, 1]} : vector<24x128xf32> to vector<1x32xf32>
    %slice3A_160 = vector.extract_strided_slice %get3A_155 {offsets = [4, 0], sizes = [1, 32], strides = [1, 1]} : vector<24x128xf32> to vector<1x32xf32>
    %slice3A_161 = vector.extract_strided_slice %get3A_155 {offsets = [5, 0], sizes = [1, 32], strides = [1, 1]} : vector<24x128xf32> to vector<1x32xf32>
    %slice3A_162 = vector.extract_strided_slice %get3A_155 {offsets = [6, 0], sizes = [1, 32], strides = [1, 1]} : vector<24x128xf32> to vector<1x32xf32>
    %slice3A_163 = vector.extract_strided_slice %get3A_155 {offsets = [7, 0], sizes = [1, 32], strides = [1, 1]} : vector<24x128xf32> to vector<1x32xf32>
    %slice3A_164 = vector.extract_strided_slice %get3A_155 {offsets = [8, 0], sizes = [1, 32], strides = [1, 1]} : vector<24x128xf32> to vector<1x32xf32>
    %slice3A_165 = vector.extract_strided_slice %get3A_155 {offsets = [9, 0], sizes = [1, 32], strides = [1, 1]} : vector<24x128xf32> to vector<1x32xf32>
    %slice3A_166 = vector.extract_strided_slice %get3A_155 {offsets = [10, 0], sizes = [1, 32], strides = [1, 1]} : vector<24x128xf32> to vector<1x32xf32>
    %slice3A_167 = vector.extract_strided_slice %get3A_155 {offsets = [11, 0], sizes = [1, 32], strides = [1, 1]} : vector<24x128xf32> to vector<1x32xf32>
    %slice3A_168 = vector.extract_strided_slice %get3A_155 {offsets = [12, 0], sizes = [1, 32], strides = [1, 1]} : vector<24x128xf32> to vector<1x32xf32>
    %slice3A_169 = vector.extract_strided_slice %get3A_155 {offsets = [13, 0], sizes = [1, 32], strides = [1, 1]} : vector<24x128xf32> to vector<1x32xf32>
    %slice3A_170 = vector.extract_strided_slice %get3A_155 {offsets = [14, 0], sizes = [1, 32], strides = [1, 1]} : vector<24x128xf32> to vector<1x32xf32>
    %slice3A_171 = vector.extract_strided_slice %get3A_155 {offsets = [15, 0], sizes = [1, 32], strides = [1, 1]} : vector<24x128xf32> to vector<1x32xf32>
    %slice3A_172 = vector.extract_strided_slice %get3A_155 {offsets = [16, 0], sizes = [1, 32], strides = [1, 1]} : vector<24x128xf32> to vector<1x32xf32>
    %slice3A_173 = vector.extract_strided_slice %get3A_155 {offsets = [17, 0], sizes = [1, 32], strides = [1, 1]} : vector<24x128xf32> to vector<1x32xf32>
    %slice3A_174 = vector.extract_strided_slice %get3A_155 {offsets = [18, 0], sizes = [1, 32], strides = [1, 1]} : vector<24x128xf32> to vector<1x32xf32>
    %slice3A_175 = vector.extract_strided_slice %get3A_155 {offsets = [19, 0], sizes = [1, 32], strides = [1, 1]} : vector<24x128xf32> to vector<1x32xf32>
    %slice3A_176 = vector.extract_strided_slice %get3A_155 {offsets = [20, 0], sizes = [1, 32], strides = [1, 1]} : vector<24x128xf32> to vector<1x32xf32>
    %slice3A_177 = vector.extract_strided_slice %get3A_155 {offsets = [21, 0], sizes = [1, 32], strides = [1, 1]} : vector<24x128xf32> to vector<1x32xf32>
    %slice3A_178 = vector.extract_strided_slice %get3A_155 {offsets = [22, 0], sizes = [1, 32], strides = [1, 1]} : vector<24x128xf32> to vector<1x32xf32>
    %slice3A_179 = vector.extract_strided_slice %get3A_155 {offsets = [23, 0], sizes = [1, 32], strides = [1, 1]} : vector<24x128xf32> to vector<1x32xf32>
    %concatenate3A_180 = tpu.concatenate %slice3A_156, %slice3A_157, %slice3A_158, %slice3A_159, %slice3A_160, %slice3A_161, %slice3A_162, %slice3A_163, %slice3A_164, %slice3A_165, %slice3A_166, %slice3A_167, %slice3A_168, %slice3A_169, %slice3A_170, %slice3A_171, %slice3A_172, %slice3A_173, %slice3A_174, %slice3A_175, %slice3A_176, %slice3A_177, %slice3A_178, %slice3A_179 in 1 : vector<1x32xf32>, vector<1x32xf32>, vector<1x32xf32>, vector<1x32xf32>, vector<1x32xf32>, vector<1x32xf32>, vector<1x32xf32>, vector<1x32xf32>, vector<1x32xf32>, vector<1x32xf32>, vector<1x32xf32>, vector<1x32xf32>, vector<1x32xf32>, vector<1x32xf32>, vector<1x32xf32>, vector<1x32xf32>, vector<1x32xf32>, vector<1x32xf32>, vector<1x32xf32>, vector<1x32xf32>, vector<1x32xf32>, vector<1x32xf32>, vector<1x32xf32>, vector<1x32xf32> -> vector<1x768xf32>
    %broadcast_in_dim3A_181 = vector.shape_cast %concatenate3A_180 : vector<1x768xf32> to vector<1x1x768xf32>
    %get3A_182 = arith.constant 6 : index
    %get3A_183 = arith.constant 0 : index
    %get3A_184 = arith.constant 0 : index
    %get3A_185 = vector.load %arg1[%get3A_182, %get3A_183, %get3A_184] : memref<8x24x128xf32, #tpu.memory_space<vmem>>, vector<1x24x128xf32>
    %get3A_186 = vector.shape_cast %get3A_185 : vector<1x24x128xf32> to vector<24x128xf32>
    %slice3A_187 = vector.extract_strided_slice %get3A_186 {offsets = [0, 0], sizes = [1, 32], strides = [1, 1]} : vector<24x128xf32> to vector<1x32xf32>
    %slice3A_188 = vector.extract_strided_slice %get3A_186 {offsets = [1, 0], sizes = [1, 32], strides = [1, 1]} : vector<24x128xf32> to vector<1x32xf32>
    %slice3A_189 = vector.extract_strided_slice %get3A_186 {offsets = [2, 0], sizes = [1, 32], strides = [1, 1]} : vector<24x128xf32> to vector<1x32xf32>
    %slice3A_190 = vector.extract_strided_slice %get3A_186 {offsets = [3, 0], sizes = [1, 32], strides = [1, 1]} : vector<24x128xf32> to vector<1x32xf32>
    %slice3A_191 = vector.extract_strided_slice %get3A_186 {offsets = [4, 0], sizes = [1, 32], strides = [1, 1]} : vector<24x128xf32> to vector<1x32xf32>
    %slice3A_192 = vector.extract_strided_slice %get3A_186 {offsets = [5, 0], sizes = [1, 32], strides = [1, 1]} : vector<24x128xf32> to vector<1x32xf32>
    %slice3A_193 = vector.extract_strided_slice %get3A_186 {offsets = [6, 0], sizes = [1, 32], strides = [1, 1]} : vector<24x128xf32> to vector<1x32xf32>
    %slice3A_194 = vector.extract_strided_slice %get3A_186 {offsets = [7, 0], sizes = [1, 32], strides = [1, 1]} : vector<24x128xf32> to vector<1x32xf32>
    %slice3A_195 = vector.extract_strided_slice %get3A_186 {offsets = [8, 0], sizes = [1, 32], strides = [1, 1]} : vector<24x128xf32> to vector<1x32xf32>
    %slice3A_196 = vector.extract_strided_slice %get3A_186 {offsets = [9, 0], sizes = [1, 32], strides = [1, 1]} : vector<24x128xf32> to vector<1x32xf32>
    %slice3A_197 = vector.extract_strided_slice %get3A_186 {offsets = [10, 0], sizes = [1, 32], strides = [1, 1]} : vector<24x128xf32> to vector<1x32xf32>
    %slice3A_198 = vector.extract_strided_slice %get3A_186 {offsets = [11, 0], sizes = [1, 32], strides = [1, 1]} : vector<24x128xf32> to vector<1x32xf32>
    %slice3A_199 = vector.extract_strided_slice %get3A_186 {offsets = [12, 0], sizes = [1, 32], strides = [1, 1]} : vector<24x128xf32> to vector<1x32xf32>
    %slice3A_200 = vector.extract_strided_slice %get3A_186 {offsets = [13, 0], sizes = [1, 32], strides = [1, 1]} : vector<24x128xf32> to vector<1x32xf32>
    %slice3A_201 = vector.extract_strided_slice %get3A_186 {offsets = [14, 0], sizes = [1, 32], strides = [1, 1]} : vector<24x128xf32> to vector<1x32xf32>
    %slice3A_202 = vector.extract_strided_slice %get3A_186 {offsets = [15, 0], sizes = [1, 32], strides = [1, 1]} : vector<24x128xf32> to vector<1x32xf32>
    %slice3A_203 = vector.extract_strided_slice %get3A_186 {offsets = [16, 0], sizes = [1, 32], strides = [1, 1]} : vector<24x128xf32> to vector<1x32xf32>
    %slice3A_204 = vector.extract_strided_slice %get3A_186 {offsets = [17, 0], sizes = [1, 32], strides = [1, 1]} : vector<24x128xf32> to vector<1x32xf32>
    %slice3A_205 = vector.extract_strided_slice %get3A_186 {offsets = [18, 0], sizes = [1, 32], strides = [1, 1]} : vector<24x128xf32> to vector<1x32xf32>
    %slice3A_206 = vector.extract_strided_slice %get3A_186 {offsets = [19, 0], sizes = [1, 32], strides = [1, 1]} : vector<24x128xf32> to vector<1x32xf32>
    %slice3A_207 = vector.extract_strided_slice %get3A_186 {offsets = [20, 0], sizes = [1, 32], strides = [1, 1]} : vector<24x128xf32> to vector<1x32xf32>
    %slice3A_208 = vector.extract_strided_slice %get3A_186 {offsets = [21, 0], sizes = [1, 32], strides = [1, 1]} : vector<24x128xf32> to vector<1x32xf32>
    %slice3A_209 = vector.extract_strided_slice %get3A_186 {offsets = [22, 0], sizes = [1, 32], strides = [1, 1]} : vector<24x128xf32> to vector<1x32xf32>
    %slice3A_210 = vector.extract_strided_slice %get3A_186 {offsets = [23, 0], sizes = [1, 32], strides = [1, 1]} : vector<24x128xf32> to vector<1x32xf32>
    %concatenate3A_211 = tpu.concatenate %slice3A_187, %slice3A_188, %slice3A_189, %slice3A_190, %slice3A_191, %slice3A_192, %slice3A_193, %slice3A_194, %slice3A_195, %slice3A_196, %slice3A_197, %slice3A_198, %slice3A_199, %slice3A_200, %slice3A_201, %slice3A_202, %slice3A_203, %slice3A_204, %slice3A_205, %slice3A_206, %slice3A_207, %slice3A_208, %slice3A_209, %slice3A_210 in 1 : vector<1x32xf32>, vector<1x32xf32>, vector<1x32xf32>, vector<1x32xf32>, vector<1x32xf32>, vector<1x32xf32>, vector<1x32xf32>, vector<1x32xf32>, vector<1x32xf32>, vector<1x32xf32>, vector<1x32xf32>, vector<1x32xf32>, vector<1x32xf32>, vector<1x32xf32>, vector<1x32xf32>, vector<1x32xf32>, vector<1x32xf32>, vector<1x32xf32>, vector<1x32xf32>, vector<1x32xf32>, vector<1x32xf32>, vector<1x32xf32>, vector<1x32xf32>, vector<1x32xf32> -> vector<1x768xf32>
    %broadcast_in_dim3A_212 = vector.shape_cast %concatenate3A_211 : vector<1x768xf32> to vector<1x1x768xf32>
    %get3A_213 = arith.constant 7 : index
    %get3A_214 = arith.constant 0 : index
    %get3A_215 = arith.constant 0 : index
    %get3A_216 = vector.load %arg1[%get3A_213, %get3A_214, %get3A_215] : memref<8x24x128xf32, #tpu.memory_space<vmem>>, vector<1x24x128xf32>
    %get3A_217 = vector.shape_cast %get3A_216 : vector<1x24x128xf32> to vector<24x128xf32>
    %slice3A_218 = vector.extract_strided_slice %get3A_217 {offsets = [0, 0], sizes = [1, 32], strides = [1, 1]} : vector<24x128xf32> to vector<1x32xf32>
    %slice3A_219 = vector.extract_strided_slice %get3A_217 {offsets = [1, 0], sizes = [1, 32], strides = [1, 1]} : vector<24x128xf32> to vector<1x32xf32>
    %slice3A_220 = vector.extract_strided_slice %get3A_217 {offsets = [2, 0], sizes = [1, 32], strides = [1, 1]} : vector<24x128xf32> to vector<1x32xf32>
    %slice3A_221 = vector.extract_strided_slice %get3A_217 {offsets = [3, 0], sizes = [1, 32], strides = [1, 1]} : vector<24x128xf32> to vector<1x32xf32>
    %slice3A_222 = vector.extract_strided_slice %get3A_217 {offsets = [4, 0], sizes = [1, 32], strides = [1, 1]} : vector<24x128xf32> to vector<1x32xf32>
    %slice3A_223 = vector.extract_strided_slice %get3A_217 {offsets = [5, 0], sizes = [1, 32], strides = [1, 1]} : vector<24x128xf32> to vector<1x32xf32>
    %slice3A_224 = vector.extract_strided_slice %get3A_217 {offsets = [6, 0], sizes = [1, 32], strides = [1, 1]} : vector<24x128xf32> to vector<1x32xf32>
    %slice3A_225 = vector.extract_strided_slice %get3A_217 {offsets = [7, 0], sizes = [1, 32], strides = [1, 1]} : vector<24x128xf32> to vector<1x32xf32>
    %slice3A_226 = vector.extract_strided_slice %get3A_217 {offsets = [8, 0], sizes = [1, 32], strides = [1, 1]} : vector<24x128xf32> to vector<1x32xf32>
    %slice3A_227 = vector.extract_strided_slice %get3A_217 {offsets = [9, 0], sizes = [1, 32], strides = [1, 1]} : vector<24x128xf32> to vector<1x32xf32>
    %slice3A_228 = vector.extract_strided_slice %get3A_217 {offsets = [10, 0], sizes = [1, 32], strides = [1, 1]} : vector<24x128xf32> to vector<1x32xf32>
    %slice3A_229 = vector.extract_strided_slice %get3A_217 {offsets = [11, 0], sizes = [1, 32], strides = [1, 1]} : vector<24x128xf32> to vector<1x32xf32>
    %slice3A_230 = vector.extract_strided_slice %get3A_217 {offsets = [12, 0], sizes = [1, 32], strides = [1, 1]} : vector<24x128xf32> to vector<1x32xf32>
    %slice3A_231 = vector.extract_strided_slice %get3A_217 {offsets = [13, 0], sizes = [1, 32], strides = [1, 1]} : vector<24x128xf32> to vector<1x32xf32>
    %slice3A_232 = vector.extract_strided_slice %get3A_217 {offsets = [14, 0], sizes = [1, 32], strides = [1, 1]} : vector<24x128xf32> to vector<1x32xf32>
    %slice3A_233 = vector.extract_strided_slice %get3A_217 {offsets = [15, 0], sizes = [1, 32], strides = [1, 1]} : vector<24x128xf32> to vector<1x32xf32>
    %slice3A_234 = vector.extract_strided_slice %get3A_217 {offsets = [16, 0], sizes = [1, 32], strides = [1, 1]} : vector<24x128xf32> to vector<1x32xf32>
    %slice3A_235 = vector.extract_strided_slice %get3A_217 {offsets = [17, 0], sizes = [1, 32], strides = [1, 1]} : vector<24x128xf32> to vector<1x32xf32>
    %slice3A_236 = vector.extract_strided_slice %get3A_217 {offsets = [18, 0], sizes = [1, 32], strides = [1, 1]} : vector<24x128xf32> to vector<1x32xf32>
    %slice3A_237 = vector.extract_strided_slice %get3A_217 {offsets = [19, 0], sizes = [1, 32], strides = [1, 1]} : vector<24x128xf32> to vector<1x32xf32>
    %slice3A_238 = vector.extract_strided_slice %get3A_217 {offsets = [20, 0], sizes = [1, 32], strides = [1, 1]} : vector<24x128xf32> to vector<1x32xf32>
    %slice3A_239 = vector.extract_strided_slice %get3A_217 {offsets = [21, 0], sizes = [1, 32], strides = [1, 1]} : vector<24x128xf32> to vector<1x32xf32>
    %slice3A_240 = vector.extract_strided_slice %get3A_217 {offsets = [22, 0], sizes = [1, 32], strides = [1, 1]} : vector<24x128xf32> to vector<1x32xf32>
    %slice3A_241 = vector.extract_strided_slice %get3A_217 {offsets = [23, 0], sizes = [1, 32], strides = [1, 1]} : vector<24x128xf32> to vector<1x32xf32>
    %concatenate3A_242 = tpu.concatenate %slice3A_218, %slice3A_219, %slice3A_220, %slice3A_221, %slice3A_222, %slice3A_223, %slice3A_224, %slice3A_225, %slice3A_226, %slice3A_227, %slice3A_228, %slice3A_229, %slice3A_230, %slice3A_231, %slice3A_232, %slice3A_233, %slice3A_234, %slice3A_235, %slice3A_236, %slice3A_237, %slice3A_238, %slice3A_239, %slice3A_240, %slice3A_241 in 1 : vector<1x32xf32>, vector<1x32xf32>, vector<1x32xf32>, vector<1x32xf32>, vector<1x32xf32>, vector<1x32xf32>, vector<1x32xf32>, vector<1x32xf32>, vector<1x32xf32>, vector<1x32xf32>, vector<1x32xf32>, vector<1x32xf32>, vector<1x32xf32>, vector<1x32xf32>, vector<1x32xf32>, vector<1x32xf32>, vector<1x32xf32>, vector<1x32xf32>, vector<1x32xf32>, vector<1x32xf32>, vector<1x32xf32>, vector<1x32xf32>, vector<1x32xf32>, vector<1x32xf32> -> vector<1x768xf32>
    %broadcast_in_dim3A_243 = vector.shape_cast %concatenate3A_242 : vector<1x768xf32> to vector<1x1x768xf32>
    %concatenate3A_244 = tpu.concatenate %broadcast_in_dim3A, %broadcast_in_dim3A_57, %broadcast_in_dim3A_88, %broadcast_in_dim3A_119, %broadcast_in_dim3A_150, %broadcast_in_dim3A_181, %broadcast_in_dim3A_212, %broadcast_in_dim3A_243 in 0 : vector<1x1x768xf32>, vector<1x1x768xf32>, vector<1x1x768xf32>, vector<1x1x768xf32>, vector<1x1x768xf32>, vector<1x1x768xf32>, vector<1x1x768xf32>, vector<1x1x768xf32> -> vector<8x1x768xf32>
    %get3A_245 = arith.constant 0 : index
    %get3A_246 = arith.constant 0 : index
    %get3A_247 = arith.constant 0 : index
    %get3A_248 = vector.load %arg2[%get3A_245, %get3A_246, %get3A_247] : memref<8x325x768xf32, #tpu.memory_space<vmem>>, vector<8x325x768xf32>
    %add3A = vector.broadcast %concatenate3A_244 : vector<8x1x768xf32> to vector<8x325x768xf32>
    %add3A_249 = arith.addf %get3A_248, %add3A : vector<8x325x768xf32>
    %swap3A = arith.constant 0 : index
    %swap3A_250 = arith.constant 0 : index
    %swap3A_251 = arith.constant 0 : index
    %swap3A_252 = vector.load %arg3[%swap3A, %swap3A_250, %swap3A_251] : memref<8x325x768xf32, #tpu.memory_space<vmem>>, vector<8x325x768xf32>
    tpu.vector_store %arg3[%swap3A, %swap3A_250, %swap3A_251], %add3A_249 {strides = array<i32>} : memref<8x325x768xf32, #tpu.memory_space<vmem>>, vector<8x325x768xf32>,
    return
  }
  func.func @transform_0(%arg0: i32) -> (i32, i32, i32) {
    %c0_i32 = arith.constant 0 : i32
    %c0_i32_0 = arith.constant 0 : i32
    %c0_i32_1 = arith.constant 0 : i32
    return %arg0, %c0_i32, %c0_i32_0 : i32, i32, i32
  }
  func.func @transform_1(%arg0: i32) -> (i32, i32, i32) {
    %c0_i32 = arith.constant 0 : i32
    %c0_i32_0 = arith.constant 0 : i32
    %c0_i32_1 = arith.constant 0 : i32
    return %arg0, %c0_i32, %c0_i32_0 : i32, i32, i32
  }
  func.func @transform_2(%arg0: i32) -> (i32, i32, i32) {
    %c0_i32 = arith.constant 0 : i32
    %c0_i32_0 = arith.constant 0 : i32
    %c0_i32_1 = arith.constant 0 : i32
    return %arg0, %c0_i32, %c0_i32_0 : i32, i32, i32
  }
}

</mosaic_0001>

<sc_bundles>
// kernel: kernel.4.cloned.1.call-start
scs
__scs_entry_jumppad:
0x0: {  	(pc) =	sbr.rel $0x88, $3  }
0x1: {  	(tag) =	ssettag $0x0;
	lr =	simm.s32 $0x1  }
0x2: {  	[smem:$0x3F9C] =	sst lr;
	_ =	strace $0xD0000000  }
0x3: {  	_ = 	snop  }
0x4: {  	_ = 	snop  }
0x5: {  	_ = 	snop  }
0x6: {  	_ = 	snop  }
0x7: {  	_ = 	snop  }
__scs_overlays_trampoline_lowered:
0x8: {  	[smem:$0x3FAB] =	sst s0  }
0x9: {  	[smem:$0x3FAC] =	sst s1  }
0xa: {  	[smem:$0x3FAD] =	sst s2  }
0xb: {  	[smem:$0x3FAE] =	sst s3  }
0xc: {  	[smem:$0x3FAF] =	sst s4  }
0xd: {  	[smem:$0x3FB0] =	sst s5  }
0xe: {  	[smem:$0x3FB1] =	sst s6  }
0xf: {  	[smem:$0x3FB2] =	sst s7  }
0x10: {  	[smem:$0x3FB3] =	sst s8  }
0x11: {  	[smem:$0x3FB4] =	sst s9;
	s0 =	simm.s32 @!p0 $0x0  }
0x12: {  	s1 =	sld [smem:$0x3F9A];
	s0 =	simm.s32 @p0 $0x1  }
0x13: {  	[smem:$0x3FB5] =	sst s0;
	s0 =	simm.s32 @!p1 $0x0  }
0x14: {  	s2 =	sld [smem:$0x3F99];
	s0 =	simm.s32 @p1 $0x1  }
0x15: {  	[smem:$0x3FB6] =	sst s0;
	s0 =	simm.s32 @!p2 $0x0  }
0x16: {  	s3 =	sld [smem:$0x3FDB];
	s0 =	simm.s32 @p2 $0x1  }
0x17: {  	s4 =	simm.s32 $0x1BF5;
	[smem:$0x3FB8] =	sst s0  }
0x18: {  	s0 =	sld [smem:$0x3F9B];
	_ =	swait.ge [sflag:s4], $0x0  }
0x19: {  	s7 =	sld [smem:$0x3F9C]  }
0x1a: {  	s8 =	sadd.s32 $0xFFFFE003, lr  }
0x1b: {  	s9 =	sadd.s32 $0xFFFFFEF7, lr;
	s5 =	simm.s32 $0xFFFFFFFF;
	p2 =	slt.u32 s8, $0xFFFFF086  }
0x1c: {  	p1 =	slt.u32 s9, $0xF7A;
	s5 =	simm.s32 @!p2 $0x0  }
0x1d: {  	s5 =	simm.s32 @p1 $0x1;
	p0 =	seq.s32 s7, s2  }
0x1e: {  	s7 =	smul.u32 @!p0 $0xF7A, s2;
	p2 =	seq.s32 @!p0 s5, $0x0  }
0x1f: {  	s9 =	smul.u32 $0xF7A, s1;
	s8 =	simm.s32 @!p0 $0x1BF5;
	p2 =	por !p2, p0  }
0x20: {  	[sflag:s8] =	ssyncset.s32 @!p0 $0xFFFFF086;
	s6 =	sadd.s32 @!p0 s3, s7;
	s7 =	simm.s32 @!p0 $0x108  }
0x21: {  	s3 =	sadd.s32 s3, s9;
	s6 =	sadd.s32 @!p0 $0x88, s6;
	s7 =	simm.s32 @p2 $0x1082  }
0x22: {  	[simem:s7], [sflag:s8] =	dma.local @!p0 [hbm:s6], $0xF7A  }
0x23: {  	s9 =	sor.u32 $0xD0000000, s2;
	s6 =	simm.s32 $0x108;
	_ =	swait.ge @!p0 [sflag:s8], $0x0  }
0x24: {  	s3 =	sadd.s32 $0x88, s3;
	s6 =	simm.s32 @!p1 $0x1082;
	[sflag:s4] =	ssyncset.s32 $0xFFFFF086  }
0x25: {  	[simem:s6], [sflag:s4] =	dma.local [hbm:s3], $0xF7A  }
0x26: {  	[smem:$0x3F9C] =	sst s1;
	(tag) =	ssettag s2;
	_ =	strace s9  }
0x27: {  	s1 =	sld [smem:$0x3FAC]  }
0x28: {  	s2 =	sld [smem:$0x3FAD]  }
0x29: {  	s4 =	sld [smem:$0x3FAF]  }
0x2a: {  	p0 =	seq.s32 s5, $0x0;
	s5 =	sld [smem:$0x3FB0]  }
0x2b: {  	s6 =	sld [smem:$0x3FB1]  }
0x2c: {  	s7 =	sld [smem:$0x3FB2]  }
0x2d: {  	s3 =	simm.s32 $0x108;
	s8 =	sld [smem:$0x3FB3]  }
0x2e: {  	s3 =	simm.s32 @!p0 $0x1082;
	s9 =	sld [smem:$0x3FB4]  }
0x2f: {  	lr =	sadd.s32 s0, s3;
	s0 =	sld [smem:$0x3FAB]  }
0x30: {  	s3 =	sld [smem:$0x3FAE]  }
0x31: {  	[smem:$0x3FB7] =	sst s10  }
0x32: {  	s10 =	sld [smem:$0x3FB5];
	_ =	sdelay $0x3  }
0x33: {  	p0 =	seq.s32 s10, $0x1;
	s10 =	sld [smem:$0x3FB7];
	_ =	sdelay $0x3  }
0x34: {  	[smem:$0x3FB7] =	sst s10  }
0x35: {  	s10 =	sld [smem:$0x3FB6];
	_ =	sdelay $0x3  }
0x36: {  	p1 =	seq.s32 s10, $0x1;
	s10 =	sld [smem:$0x3FB7];
	_ =	sdelay $0x3  }
0x37: {  	[smem:$0x3FB7] =	sst s10  }
0x38: {  	s10 =	sld [smem:$0x3FB8]  }
0x39: {  	_ = 	snop;
	(pc) =	sbr.ind lr, $3  }
0x3a: {  	_ = 	snop  }
0x3b: {  	_ = 	snop  }
0x3c: {  	p2 =	seq.s32 s10, $0x1;
	s10 =	sld [smem:$0x3FB7]  }
0x3d: {  	_ =	shalt  }
0x3e: {  	_ =	shalt  }
0x3f: {  	_ =	shalt  }
0x40: {  	_ =	shalt  }
0x41: {  	_ =	shalt  }
0x42: {  	_ =	shalt  }
0x43: {  	_ =	shalt  }
0x44: {  	_ =	shalt  }
0x45: {  	_ =	shalt  }
0x46: {  	_ =	shalt  }
0x47: {  	_ =	shalt  }
0x48: {  	_ =	shalt  }
0x49: {  	_ =	shalt  }
0x4a: {  	_ =	shalt  }
0x4b: {  	_ =	shalt  }
0x4c: {  	_ =	shalt  }
0x4d: {  	_ =	shalt  }
0x4e: {  	_ =	shalt  }
0x4f: {  	_ =	shalt  }
0x50: {  	_ =	shalt  }
0x51: {  	_ =	shalt  }
0x52: {  	_ =	shalt  }
0x53: {  	_ =	shalt  }
0x54: {  	_ =	shalt  }
0x55: {  	_ =	shalt  }
0x56: {  	_ =	shalt  }
0x57: {  	_ =	shalt  }
0x58: {  	_ =	shalt  }
0x59: {  	_ =	shalt  }
0x5a: {  	_ =	shalt  }
0x5b: {  	_ =	shalt  }
0x5c: {  	_ =	shalt  }
0x5d: {  	_ =	shalt  }
0x5e: {  	_ =	shalt  }
0x5f: {  	_ =	shalt  }
0x60: {  	_ =	shalt  }
0x61: {  	_ =	shalt  }
0x62: {  	_ =	shalt  }
0x63: {  	_ =	shalt  }
0x64: {  	_ =	shalt  }
0x65: {  	_ =	shalt  }
0x66: {  	_ =	shalt  }
0x67: {  	_ =	shalt  }
0x68: {  	_ =	shalt  }
0x69: {  	_ =	shalt  }
0x6a: {  	_ =	shalt  }
0x6b: {  	_ =	shalt  }
0x6c: {  	_ =	shalt  }
0x6d: {  	_ =	shalt  }
0x6e: {  	_ =	shalt  }
0x6f: {  	_ =	shalt  }
0x70: {  	_ =	shalt  }
0x71: {  	_ =	shalt  }
0x72: {  	_ =	shalt  }
0x73: {  	_ =	shalt  }
0x74: {  	_ =	shalt  }
0x75: {  	_ =	shalt  }
0x76: {  	_ =	shalt  }
0x77: {  	_ =	shalt  }
0x78: {  	_ =	shalt  }
0x79: {  	_ =	shalt  }
0x7a: {  	_ =	shalt  }
0x7b: {  	_ =	shalt  }
0x7c: {  	_ =	shalt  }
0x7d: {  	_ =	shalt  }
0x7e: {  	_ =	shalt  }
0x7f: {  	_ =	shalt  }
0x80: {  	_ =	shalt  }
0x81: {  	_ =	shalt  }
0x82: {  	_ =	shalt  }
0x83: {  	_ =	shalt  }
0x84: {  	_ =	shalt  }
0x85: {  	_ =	shalt  }
0x86: {  	_ =	shalt  }
0x87: {  	_ =	shalt  }
.Lfunc_end0:
.L_simem_size_0:
called_computation_lowered:
.L_overlay_start_0:
0x88: {  	s2 =	sld [smem:$0x3FD9]  }
0x89: {  	s3 =	sld [smem:$0x3FFE];
	_ =	sdelay $0x1  }
0x8a: {  	s1 =	srdreg.scid  }
0x8b: {  	s0 =	sand.u32 $0x1, s1  }
0x8c: {  	s16 =	sshll.u32 s0, $0xA;
	s2 =	sadd.s32 s3, s2  }
0x8d: {  	s2 =	sadd.s32 s2, s16  }
0x8e: {  	[smem:$0x3FC3] =	sst s2  }
0x8f: {  	_ = 	snop  }
0x90: {  	(tm) =	ssettm $0x1  }
0x91: {  	s17 =	sld [smem:$0x3FFB];
	_ =	sdelay $0x3  }
0x92: {  	_ =	strace s17  }
0x93: {  	s2 =	sld [smem:$0x3FFC];
	_ =	sdelay $0x3  }
0x94: {  	_ =	strace s2  }
0x95: {  	s2 =	sld [smem:$0x3FFD];
	_ =	sdelay $0x3  }
0x96: {  	_ =	strace s2  }
0x97: {  	_ =	strace $0x8FFFFFFF  }
0x98: {  	s18 =	sld [smem:$0x3FDB];
	_ =	sdelay $0x1  }
0x99: {  	s19 =	simm.s32 $_scs_section_size  }
0x9a: {  	s4 =	simm.s32 $_size__tile_overlayer_lowered;
	s5 =	simm.s32 $_tile_overlayer_lowered  }
0x9b: {  	s22 =	simm.s32 $0x1BFF;
	s21 =	sshll.u32 s5, $0x1;
	s2 =	sadd.s32 s19, s18  }
0x9c: {  	s6 =	simm.s32 $0x0;
	s20 =	sshll.u32 s4, $0x1;
	s4 =	sadd.s32 s21, s2  }
0x9d: {  	[timem:s6], [sflag:s22] =	dma.local [hbm:s4], s20  }
0x9e: {  	_ =	swait.ge [sflag:s22], s20  }
0x9f: {  	s3 =	ssub.s32 $0x0, s20;
	[sflag:s22] =	ssyncset.done $0x0  }
0xa0: {  	[sflag:s22] =	ssyncadd.s32 s3;
	_ =	sdelay $0x1  }
0xa1: {  	s23 =	simm.s32 $0x1B8B  }
0xa2: {  	_ =	swait.ge [sflag:s23], $0x1  }
0xa3: {  	[sflag:s23] =	ssyncset.done $0x0  }
0xa4: {  	s25 =	simm.s32 $0x1B8E;
	s24 =	sld [smem:$0x3FFE];
	[sflag:s23] =	ssyncadd.s32 $0xFFFFFFFF  }
0xa5: {  	s26 =	simm.s32 $execute0_lowered;
	[smem:$0x3FD2] =	sst s25  }
0xa6: {  	s4 =	sshll.u32 s26, $0x1;
	_ =	strace $0x80000046;
	[dreg:$0x1] =	wrdreg $0xFFFFFFFF  }
0xa7: {  	s28 =	simm.s32 $_size_execute0_lowered;
	s2 =	sadd.s32 s2, s4;
	[dreg:$0x0] =	wrdreg $0x0  }
0xa8: {  	s4 =	sshll.u32 s28, $0x1;
	[dreg:$0x2] =	wrdreg s2  }
0xa9: {  	[dreg:$0x3] =	wrdreg s4  }
0xaa: {  	[dreg:$0x4] =	wrdreg $0xC0  }
0xab: {  	_ =	task [dreg:s6], $0x5FFFF  }
0xac: {  	[dreg:$0x1] =	wrdreg $0xFFFFFFFF  }
0xad: {  	[dreg:$0x0] =	wrdreg $0x60  }
0xae: {  	[dreg:$0x2] =	wrdreg s24  }
0xaf: {  	[dreg:$0x3] =	wrdreg $0x9  }
0xb0: {  	_ =	task.clear_ibuf [dreg:s6], $0x4FFFF;
	_ =	strace $0x90000046  }
0xb1: {  	s29 =	simm.s32 $0x9;
	_ =	strace $0x80000048  }
0xb2: {  	_ =	swait.ge [sflag:s29], $0x1  }
0xb3: {  	[sflag:s29] =	ssyncadd.s32 $0xFFFFFFFF  }
0xb4: {  	_ =	strace $0x90000048  }
0xb5: {  	_ =	sfence  }
0xb6: {  	s30 =	sld [smem:$0x0];
	_ =	sdelay $0x2  }
0xb7: {  	s31 =	sshll.u32 s1, $0xD;
	s1 =	sshrl.u32 s1, $0x2  }
0xb8: {  	s3 =	sand.u32 $0x4000, s31;
	s1 =	sadd.s32 s1, s30  }
0xb9: {  	s0 =	sor.u32 s3, s0;
	s1 =	sshll.u32 s1, $0x11  }
0xba: {  	s0 =	sor.u32 s1, s0  }
0xbb: {  	s0 =	sadd.s32 $0x8F2B, s0  }
0xbc: {  	[sflag:s0] =	ssyncadd.remote.s32 $0x1  }
0xbd: {  	_ =	sfence.sel $0xFFFF  }
0xbe: {  	[dreg:$0x0] =	wrdreg $0xFFFFFFFF;
	(pc) =	sbr.abs _section_cstart, $3  }
0xbf: {  	[dreg:$0x1] =	wrdreg $0xFFFFFFFF  }
0xc0: {  	_ =	task.clear_ibuf [dreg:s6], $0x2FFFF;
	_ =	strace $0x9FFFFFFF  }
0xc1: {  	(tm) =	ssettm $0x7FFFFFFF  }
tec
execute0_lowered:
.L_overlay_start_1:
0x0: {  	(tag) =	ssettag $0x1  }
0x1: {  	s1 =	srdreg.scid;
	s0 =	stileid.u32  }
0x2: {  	s6 =	sand.u32 $0x1, s1;
	s30 =	sshll.u32 s0, $0x1  }
0x3: {  	s9 =	rddreg [dreg:$0x0];
	s7 =	sor.u32 s6, s30  }
0x4: {  	s2 =	simm.s32 $0x0;
	s1 =	rddreg [dreg:$0x1];
	s3 =	smul.u32 $0x6, s7  }
0x5: {  	s8 =	simm.s32 $0x1;
	[smem:$0x7FF] =	sst s2;
	s5 =	sadd.s32 $0x800, s9  }
0x6: {  	_ =	strace $0x80000047;
	s11 =	ssub.s32 $0x2, s6;
	s3 =	sadd.s32 s3, s9  }
0x7: {  	s6 =	simm.s32 $0x30;
	s4 =	sadd.s32 $0x600, s3;
	s3 =	simm.s32 $0x2  }
0x8: {  	[tilespmem:s2], [sflag:$0x2] =	stream.linear.gather [hbm4b:s4+s2], $0x30, $0x38;
	[tilespmem:$0x1880] =	vst v63  }
0x9: {  	s10 =	smul.u32 $0x300, s7;
	s12 =	sshrl.u32 s11, $0x1;
	_ =	swait.ge [sflag:s3], $0x30  }
0xa: {  	s7 =	simm.s32 $0x80;
	s31 =	ssub.s32 s11, s12;
	[sflag:s3] =	ssyncset.done $0x0  }
0xb: {  	s9 =	sadd.s32 s10, s9;
	s10 =	smax.u32 s31, $0x1;
	[sflag:s3] =	ssyncadd.s32 $0xFFFFFFD0  }
0xc: {  	[tilespmem:s7], [sflag:$0x1] =	stream.indirect.gather [hbm4b:s5+s6], $0x80, s2, s6, $0xb8;
	[tilespmem:$0x1880] =	vst v63  }
0xd: {  	p0 =	sne.s32 s10, $0x1;
	_ =	swait.ge [sflag:s8], $0x1800  }
.Ltmp0:
0xe: {  	[sflag:s8] =	ssyncset.done $0x0;
	(pc) =	sbr.rel @!p0 .LBB2_2-.Ltmp0, $4  }
0xf: {  	s9 =	sadd.s32 $0xA00, s9;
	[sflag:s8] =	ssyncadd.s32 $0xFFFFE800  }
0x10: {  	[hbm4b:s9+s2] =	stream.linear.scatter [tilespmem:s7], [sflag:$0x2], $0x1800, $0x38;
	[tilespmem:$0x1880] =	vst v63  }
0x11: {  	_ =	swait.ge [sflag:s3], $0x1800  }
0x12: {  	s10 =	sadd.s32 $0xFFFFFFFF, s10;
	[sflag:s3] =	ssyncset.done $0x0  }
.LBB2_1:
0x13: {  	p0 =	sne.s32 s10, $0x1;
	s10 =	sadd.s32 $0xFFFFFFFF, s10;
	[sflag:s3] =	ssyncadd.s32 $0xFFFFE800  }
0x14: {  	[tilespmem:s2], [sflag:$0x2] =	stream.linear.gather [hbm4b:s4+s2], $0x30, $0x38;
	[tilespmem:$0x1880] =	vst v63  }
0x15: {  	_ =	swait.ge [sflag:s3], $0x30  }
0x16: {  	[sflag:s3] =	ssyncset.done $0x0  }
0x17: {  	[sflag:s3] =	ssyncadd.s32 $0xFFFFFFD0  }
0x18: {  	[tilespmem:s7], [sflag:$0x1] =	stream.indirect.gather [hbm4b:s5+s6], $0x80, s2, s6, $0xb8;
	[tilespmem:$0x1880] =	vst v63  }
0x19: {  	_ =	swait.ge [sflag:s8], $0x1800  }
.Ltmp1:
0x1a: {  	[sflag:s8] =	ssyncset.done $0x0;
	(pc) =	sbr.rel @p0 .LBB2_1-.Ltmp1, $4  }
0x1b: {  	[sflag:s8] =	ssyncadd.s32 $0xFFFFE800  }
0x1c: {  	[hbm4b:s9+s2] =	stream.linear.scatter [tilespmem:s7], [sflag:$0x2], $0x1800, $0x38;
	[tilespmem:$0x1880] =	vst v63  }
0x1d: {  	_ =	swait.ge [sflag:s3], $0x1800  }
0x1e: {  	[sflag:s3] =	ssyncset.done $0x0  }
.LBB2_2:
0x1f: {  	[sflag:s3] =	ssyncadd.s32 $0xFFFFE800  }
0x20: {  	_ =	sfence.sel $0x180000  }
0x21: {  	[bflag:$0x0] =	sbarrier.arrive $0xFFFF  }
0x22: {  	p0 =	sne.s32 s0, $0x0;
	_ =	strace $0x90000047  }
0x23: {  	s0 =	sadd.s32 @!p0 $0x100000, s1;
	[bflag:$0x2] =	sbarrier.arrive $0xFFFF  }
0x24: {  	[sflag:s0] =	ssyncadd.tile.s32 @!p0 $0x1;
	_ =	shalt  }
.Lfunc_end2:
_tile_overlayer_lowered:
.L_overlay_start_2:
0x25: {  	(tag) =	ssettag $0x2  }
0x26: {  	s0 =	rddreg [dreg:$0x0];
	s2 =	stileid.u32  }
0x27: {  	s1 =	rddreg [dreg:$0x1];
	p0 =	sne.s32 s2, $0x0  }
0x28: {  	s3 =	rddreg [dreg:$0x2];
	[bflag:$0x3] =	sbarrier.arrive $0xFFFF;
	s2 =	simm.s32 @!p0 $0x1C02  }
0x29: {  	[timem:s3], [sflag:s2] =	dma.local @!p0 [hbm:s0], s1  }
0x2a: {  	s0 =	simm.s32 @!p0 $0x2  }
0x2b: {  	_ =	swait.ge @!p0 [sflag:s0], s1  }
0x2c: {  	s1 =	ssub.s32 @!p0 $0x0, s1;
	[sflag:s0] =	ssyncset.done @!p0 $0x0  }
0x2d: {  	[sflag:s0] =	ssyncadd.s32 @!p0 s1  }
0x2e: {  	[bflag:$0x3] =	sbarrier.arrive $0xFFFF  }
0x2f: {  	_ =	shalt  }

</sc_bundles>
